<compile_context>
chip_gen: v7x
topology: tpu7x:2x2x1
jax: 0.10.2.dev20260603
libtpu: 0.0.44.dev20260713+nightly
codegen_flags: <defaults>
</compile_context>

<pallas_src>
import functools

import jax
import jax.numpy as jnp
from jax import lax
from jax.experimental import pallas as pl
from jax.experimental.pallas import tpu as pltpu, tpu_sc as plsc

_CHUNK_ROWS = 512


def kernel(x, emb):
    n = x.shape[1]
    d = emb.shape[1]
    info = plsc.get_sparse_core_info()
    nc = info.num_cores
    rows_c = n // nc
    n_ch = rows_c // _CHUNK_ROWS
    mesh = plsc.ScalarSubcoreMesh(axis_name="c", num_cores=nc)

    @functools.partial(
        pl.kernel,
        mesh=mesh,
        out_type=jax.ShapeDtypeStruct((n, d), emb.dtype),
        scratch_types=[
            pltpu.VMEM_SHARED((2, _CHUNK_ROWS, d), emb.dtype),
            pltpu.SemaphoreType.DMA((2,)),
            pltpu.SemaphoreType.DMA((2,)),
        ],
    )
    def run(emb_hbm, out_hbm, buf, isem, osem):
        base = lax.axis_index("c") * rows_c

        def in_copy(i, b):
            return pltpu.make_async_copy(
                emb_hbm.at[pl.ds(base + i * _CHUNK_ROWS, _CHUNK_ROWS), :],
                buf.at[b],
                isem.at[b],
            )

        def out_copy(i, b):
            return pltpu.make_async_copy(
                buf.at[b],
                out_hbm.at[pl.ds(base + i * _CHUNK_ROWS, _CHUNK_ROWS), :],
                osem.at[b],
            )

        in_copy(0, 0).start()
        for i in range(n_ch):
            b = i % 2
            in_copy(i, b).wait()
            out_copy(i, b).start()
            if i + 1 < n_ch:
                nb = (i + 1) % 2
                if i >= 1:
                    out_copy(i - 1, nb).wait()
                in_copy(i + 1, nb).start()
        for i in range(max(0, n_ch - 2), n_ch):
            out_copy(i, i % 2).wait()

    return run(emb)

# --- scband reference (transcript-rebuilt; emitter-appended) ---
"""Pipeline reference for scband-random-positional-embedding-3161095930324 (READ-ONLY COPY).

The authoritative reference and input builder live on the scoring server;
editing this copy changes nothing except your own understanding.
"""

import jax, jax.numpy as jnp
import numpy as np


def setup_inputs(seed: int = 0) -> dict:
    key = jax.random.key(seed)
    k1, k2 = jax.random.split(key)
    x = jax.random.normal(k1, (2, 4096, 1024), dtype=jnp.float32)
    # learned positional embedding table: nn.Embedding(max_seq_len=8192, dim=1024)
    emb = jax.random.normal(k2, (8192, 1024), dtype=jnp.float32)
    return {"x": x, "emb": emb}


def reference(x, emb):
    # forward: t = arange(x.shape[1]); return self.emb(t)
    t = jnp.arange(x.shape[1])
    return jnp.take(emb, t, axis=0)

if __name__ == "__main__":
    import jax
    _d = setup_inputs()
    print(jax.jit(kernel)(*tuple(_d.values())))

</pallas_src>

<mosaic_0001>
#map = affine_map<(d0) -> (0, 0)>
module attributes {stable_mosaic.version = 14 : i64} {
  func.func @run(%arg0: i32, %arg1: memref<8192x1024xf32, #tpu.memory_space<hbm>>, %arg2: memref<4096x1024xf32, #tpu.memory_space<hbm>>, %arg3: memref<2x512x1024xf32, #tpu.memory_space<vmem_shared>>, %arg4: memref<2x!tpu.dma_semaphore, #tpu.memory_space<semaphore_mem>>, %arg5: memref<2x!tpu.dma_semaphore, #tpu.memory_space<semaphore_mem>>) attributes {dimension_semantics = [#tpu.dimension_semantics<core_parallel>], iteration_bounds = array<i64: 2>, scalar_prefetch = 0 : i64, scratch_operands = 3 : i64, tpu.core_type = #tpu.core_type<sc_scalar_subcore>, window_params = [{transform_indices = #map}, {transform_indices = #map}]} {
    %mul3A = arith.constant 2048 : i32
    %mul3A_0 = arith.muli %arg0, %mul3A : i32
    %add3A = arith.constant 0 : i32
    %add3A_1 = arith.addi %mul3A_0, %add3A : i32
    %dma_start3A = arith.constant 0 : i32
    %dma_start3A_2 = arith.constant 0 : i32
    %dma_start3A_3 = tpu.memref_slice %arg4[%dma_start3A_2] : memref<2x!tpu.dma_semaphore, #tpu.memory_space<semaphore_mem>> -> memref<1x!tpu.dma_semaphore, #tpu.memory_space<semaphore_mem>>
    %dma_start3A_4 = tpu.memref_squeeze %dma_start3A_3 : memref<1x!tpu.dma_semaphore, #tpu.memory_space<semaphore_mem>> -> memref<!tpu.dma_semaphore, #tpu.memory_space<semaphore_mem>>
    %dma_start3A_5 = arith.constant 0 : i32
    %dma_start3A_6 = arith.constant 0 : i32
    %dma_start3A_7 = tpu.memref_slice %arg3[%dma_start3A, %dma_start3A_5, %dma_start3A_6] : memref<2x512x1024xf32, #tpu.memory_space<vmem_shared>> -> memref<1x512x1024xf32, #tpu.memory_space<vmem_shared>>
    %dma_start3A_8 = tpu.memref_squeeze %dma_start3A_7 : memref<1x512x1024xf32, #tpu.memory_space<vmem_shared>> -> memref<512x1024xf32, #tpu.memory_space<vmem_shared>>
    %dma_start3A_9 = arith.constant 0 : i32
    %dma_start3A_10 = tpu.memref_slice %arg1[%add3A_1, %dma_start3A_9] : memref<8192x1024xf32, #tpu.memory_space<hbm>> -> memref<512x1024xf32, #tpu.memory_space<hbm>>
    tpu.enqueue_dma source(%dma_start3A_10 : memref<512x1024xf32, #tpu.memory_space<hbm>>) target(%dma_start3A_8 : memref<512x1024xf32, #tpu.memory_space<vmem_shared>>) target_semaphore(%dma_start3A_4 : memref<!tpu.dma_semaphore, #tpu.memory_space<semaphore_mem>>)
    %add3A_11 = arith.constant 0 : i32
    %add3A_12 = arith.addi %mul3A_0, %add3A_11 : i32
    %dma_wait3A = arith.constant 0 : i32
    %dma_wait3A_13 = arith.constant 0 : i32
    %dma_wait3A_14 = tpu.memref_slice %arg4[%dma_wait3A_13] : memref<2x!tpu.dma_semaphore, #tpu.memory_space<semaphore_mem>> -> memref<1x!tpu.dma_semaphore, #tpu.memory_space<semaphore_mem>>
    %dma_wait3A_15 = tpu.memref_squeeze %dma_wait3A_14 : memref<1x!tpu.dma_semaphore, #tpu.memory_space<semaphore_mem>> -> memref<!tpu.dma_semaphore, #tpu.memory_space<semaphore_mem>>
    %dma_wait3A_16 = arith.constant 0 : i32
    %dma_wait3A_17 = arith.constant 0 : i32
    %dma_wait3A_18 = tpu.memref_slice %arg3[%dma_wait3A, %dma_wait3A_16, %dma_wait3A_17] : memref<2x512x1024xf32, #tpu.memory_space<vmem_shared>> -> memref<1x512x1024xf32, #tpu.memory_space<vmem_shared>>
    %dma_wait3A_19 = tpu.memref_squeeze %dma_wait3A_18 : memref<1x512x1024xf32, #tpu.memory_space<vmem_shared>> -> memref<512x1024xf32, #tpu.memory_space<vmem_shared>>
    %dma_wait3A_20 = arith.constant 0 : i32
    %dma_wait3A_21 = tpu.memref_slice %arg1[%add3A_12, %dma_wait3A_20] : memref<8192x1024xf32, #tpu.memory_space<hbm>> -> memref<512x1024xf32, #tpu.memory_space<hbm>>
    tpu.wait_dma2 semaphore(%dma_wait3A_15 : memref<!tpu.dma_semaphore, #tpu.memory_space<semaphore_mem>>) src(%dma_wait3A_21 : memref<512x1024xf32, #tpu.memory_space<hbm>>) dst(%dma_wait3A_19 : memref<512x1024xf32, #tpu.memory_space<vmem_shared>>)
    %add3A_22 = arith.constant 0 : i32
    %add3A_23 = arith.addi %mul3A_0, %add3A_22 : i32
    %dma_start3A_24 = arith.constant 0 : i32
    %dma_start3A_25 = arith.constant 0 : i32
    %dma_start3A_26 = tpu.memref_slice %arg5[%dma_start3A_25] : memref<2x!tpu.dma_semaphore, #tpu.memory_space<semaphore_mem>> -> memref<1x!tpu.dma_semaphore, #tpu.memory_space<semaphore_mem>>
    %dma_start3A_27 = tpu.memref_squeeze %dma_start3A_26 : memref<1x!tpu.dma_semaphore, #tpu.memory_space<semaphore_mem>> -> memref<!tpu.dma_semaphore, #tpu.memory_space<semaphore_mem>>
    %dma_start3A_28 = arith.constant 0 : i32
    %dma_start3A_29 = tpu.memref_slice %arg2[%add3A_23, %dma_start3A_28] : memref<4096x1024xf32, #tpu.memory_space<hbm>> -> memref<512x1024xf32, #tpu.memory_space<hbm>>
    %dma_start3A_30 = arith.constant 0 : i32
    %dma_start3A_31 = arith.constant 0 : i32
    %dma_start3A_32 = tpu.memref_slice %arg3[%dma_start3A_24, %dma_start3A_30, %dma_start3A_31] : memref<2x512x1024xf32, #tpu.memory_space<vmem_shared>> -> memref<1x512x1024xf32, #tpu.memory_space<vmem_shared>>
    %dma_start3A_33 = tpu.memref_squeeze %dma_start3A_32 : memref<1x512x1024xf32, #tpu.memory_space<vmem_shared>> -> memref<512x1024xf32, #tpu.memory_space<vmem_shared>>
    tpu.enqueue_dma source(%dma_start3A_33 : memref<512x1024xf32, #tpu.memory_space<vmem_shared>>) target(%dma_start3A_29 : memref<512x1024xf32, #tpu.memory_space<hbm>>) target_semaphore(%dma_start3A_27 : memref<!tpu.dma_semaphore, #tpu.memory_space<semaphore_mem>>)
    %add3A_34 = arith.constant 512 : i32
    %add3A_35 = arith.addi %mul3A_0, %add3A_34 : i32
    %dma_start3A_36 = arith.constant 1 : i32
    %dma_start3A_37 = arith.constant 1 : i32
    %dma_start3A_38 = tpu.memref_slice %arg4[%dma_start3A_37] : memref<2x!tpu.dma_semaphore, #tpu.memory_space<semaphore_mem>> -> memref<1x!tpu.dma_semaphore, #tpu.memory_space<semaphore_mem>>
    %dma_start3A_39 = tpu.memref_squeeze %dma_start3A_38 : memref<1x!tpu.dma_semaphore, #tpu.memory_space<semaphore_mem>> -> memref<!tpu.dma_semaphore, #tpu.memory_space<semaphore_mem>>
    %dma_start3A_40 = arith.constant 0 : i32
    %dma_start3A_41 = arith.constant 0 : i32
    %dma_start3A_42 = tpu.memref_slice %arg3[%dma_start3A_36, %dma_start3A_40, %dma_start3A_41] : memref<2x512x1024xf32, #tpu.memory_space<vmem_shared>> -> memref<1x512x1024xf32, #tpu.memory_space<vmem_shared>>
    %dma_start3A_43 = tpu.memref_squeeze %dma_start3A_42 : memref<1x512x1024xf32, #tpu.memory_space<vmem_shared>> -> memref<512x1024xf32, #tpu.memory_space<vmem_shared>>
    %dma_start3A_44 = arith.constant 0 : i32
    %dma_start3A_45 = tpu.memref_slice %arg1[%add3A_35, %dma_start3A_44] : memref<8192x1024xf32, #tpu.memory_space<hbm>> -> memref<512x1024xf32, #tpu.memory_space<hbm>>
    tpu.enqueue_dma source(%dma_start3A_45 : memref<512x1024xf32, #tpu.memory_space<hbm>>) target(%dma_start3A_43 : memref<512x1024xf32, #tpu.memory_space<vmem_shared>>) target_semaphore(%dma_start3A_39 : memref<!tpu.dma_semaphore, #tpu.memory_space<semaphore_mem>>)
    %add3A_46 = arith.constant 512 : i32
    %add3A_47 = arith.addi %mul3A_0, %add3A_46 : i32
    %dma_wait3A_48 = arith.constant 1 : i32
    %dma_wait3A_49 = arith.constant 1 : i32
    %dma_wait3A_50 = tpu.memref_slice %arg4[%dma_wait3A_49] : memref<2x!tpu.dma_semaphore, #tpu.memory_space<semaphore_mem>> -> memref<1x!tpu.dma_semaphore, #tpu.memory_space<semaphore_mem>>
    %dma_wait3A_51 = tpu.memref_squeeze %dma_wait3A_50 : memref<1x!tpu.dma_semaphore, #tpu.memory_space<semaphore_mem>> -> memref<!tpu.dma_semaphore, #tpu.memory_space<semaphore_mem>>
    %dma_wait3A_52 = arith.constant 0 : i32
    %dma_wait3A_53 = arith.constant 0 : i32
    %dma_wait3A_54 = tpu.memref_slice %arg3[%dma_wait3A_48, %dma_wait3A_52, %dma_wait3A_53] : memref<2x512x1024xf32, #tpu.memory_space<vmem_shared>> -> memref<1x512x1024xf32, #tpu.memory_space<vmem_shared>>
    %dma_wait3A_55 = tpu.memref_squeeze %dma_wait3A_54 : memref<1x512x1024xf32, #tpu.memory_space<vmem_shared>> -> memref<512x1024xf32, #tpu.memory_space<vmem_shared>>
    %dma_wait3A_56 = arith.constant 0 : i32
    %dma_wait3A_57 = tpu.memref_slice %arg1[%add3A_47, %dma_wait3A_56] : memref<8192x1024xf32, #tpu.memory_space<hbm>> -> memref<512x1024xf32, #tpu.memory_space<hbm>>
    tpu.wait_dma2 semaphore(%dma_wait3A_51 : memref<!tpu.dma_semaphore, #tpu.memory_space<semaphore_mem>>) src(%dma_wait3A_57 : memref<512x1024xf32, #tpu.memory_space<hbm>>) dst(%dma_wait3A_55 : memref<512x1024xf32, #tpu.memory_space<vmem_shared>>)
    %add3A_58 = arith.constant 512 : i32
    %add3A_59 = arith.addi %mul3A_0, %add3A_58 : i32
    %dma_start3A_60 = arith.constant 1 : i32
    %dma_start3A_61 = arith.constant 1 : i32
    %dma_start3A_62 = tpu.memref_slice %arg5[%dma_start3A_61] : memref<2x!tpu.dma_semaphore, #tpu.memory_space<semaphore_mem>> -> memref<1x!tpu.dma_semaphore, #tpu.memory_space<semaphore_mem>>
    %dma_start3A_63 = tpu.memref_squeeze %dma_start3A_62 : memref<1x!tpu.dma_semaphore, #tpu.memory_space<semaphore_mem>> -> memref<!tpu.dma_semaphore, #tpu.memory_space<semaphore_mem>>
    %dma_start3A_64 = arith.constant 0 : i32
    %dma_start3A_65 = tpu.memref_slice %arg2[%add3A_59, %dma_start3A_64] : memref<4096x1024xf32, #tpu.memory_space<hbm>> -> memref<512x1024xf32, #tpu.memory_space<hbm>>
    %dma_start3A_66 = arith.constant 0 : i32
    %dma_start3A_67 = arith.constant 0 : i32
    %dma_start3A_68 = tpu.memref_slice %arg3[%dma_start3A_60, %dma_start3A_66, %dma_start3A_67] : memref<2x512x1024xf32, #tpu.memory_space<vmem_shared>> -> memref<1x512x1024xf32, #tpu.memory_space<vmem_shared>>
    %dma_start3A_69 = tpu.memref_squeeze %dma_start3A_68 : memref<1x512x1024xf32, #tpu.memory_space<vmem_shared>> -> memref<512x1024xf32, #tpu.memory_space<vmem_shared>>
    tpu.enqueue_dma source(%dma_start3A_69 : memref<512x1024xf32, #tpu.memory_space<vmem_shared>>) target(%dma_start3A_65 : memref<512x1024xf32, #tpu.memory_space<hbm>>) target_semaphore(%dma_start3A_63 : memref<!tpu.dma_semaphore, #tpu.memory_space<semaphore_mem>>)
    %add3A_70 = arith.constant 0 : i32
    %add3A_71 = arith.addi %mul3A_0, %add3A_70 : i32
    %dma_wait3A_72 = arith.constant 0 : i32
    %dma_wait3A_73 = arith.constant 0 : i32
    %dma_wait3A_74 = tpu.memref_slice %arg5[%dma_wait3A_73] : memref<2x!tpu.dma_semaphore, #tpu.memory_space<semaphore_mem>> -> memref<1x!tpu.dma_semaphore, #tpu.memory_space<semaphore_mem>>
    %dma_wait3A_75 = tpu.memref_squeeze %dma_wait3A_74 : memref<1x!tpu.dma_semaphore, #tpu.memory_space<semaphore_mem>> -> memref<!tpu.dma_semaphore, #tpu.memory_space<semaphore_mem>>
    %dma_wait3A_76 = arith.constant 0 : i32
    %dma_wait3A_77 = tpu.memref_slice %arg2[%add3A_71, %dma_wait3A_76] : memref<4096x1024xf32, #tpu.memory_space<hbm>> -> memref<512x1024xf32, #tpu.memory_space<hbm>>
    %dma_wait3A_78 = arith.constant 0 : i32
    %dma_wait3A_79 = arith.constant 0 : i32
    %dma_wait3A_80 = tpu.memref_slice %arg3[%dma_wait3A_72, %dma_wait3A_78, %dma_wait3A_79] : memref<2x512x1024xf32, #tpu.memory_space<vmem_shared>> -> memref<1x512x1024xf32, #tpu.memory_space<vmem_shared>>
    %dma_wait3A_81 = tpu.memref_squeeze %dma_wait3A_80 : memref<1x512x1024xf32, #tpu.memory_space<vmem_shared>> -> memref<512x1024xf32, #tpu.memory_space<vmem_shared>>
    tpu.wait_dma2 semaphore(%dma_wait3A_75 : memref<!tpu.dma_semaphore, #tpu.memory_space<semaphore_mem>>) src(%dma_wait3A_81 : memref<512x1024xf32, #tpu.memory_space<vmem_shared>>) dst(%dma_wait3A_77 : memref<512x1024xf32, #tpu.memory_space<hbm>>)
    %add3A_82 = arith.constant 1024 : i32
    %add3A_83 = arith.addi %mul3A_0, %add3A_82 : i32
    %dma_start3A_84 = arith.constant 0 : i32
    %dma_start3A_85 = arith.constant 0 : i32
    %dma_start3A_86 = tpu.memref_slice %arg4[%dma_start3A_85] : memref<2x!tpu.dma_semaphore, #tpu.memory_space<semaphore_mem>> -> memref<1x!tpu.dma_semaphore, #tpu.memory_space<semaphore_mem>>
    %dma_start3A_87 = tpu.memref_squeeze %dma_start3A_86 : memref<1x!tpu.dma_semaphore, #tpu.memory_space<semaphore_mem>> -> memref<!tpu.dma_semaphore, #tpu.memory_space<semaphore_mem>>
    %dma_start3A_88 = arith.constant 0 : i32
    %dma_start3A_89 = arith.constant 0 : i32
    %dma_start3A_90 = tpu.memref_slice %arg3[%dma_start3A_84, %dma_start3A_88, %dma_start3A_89] : memref<2x512x1024xf32, #tpu.memory_space<vmem_shared>> -> memref<1x512x1024xf32, #tpu.memory_space<vmem_shared>>
    %dma_start3A_91 = tpu.memref_squeeze %dma_start3A_90 : memref<1x512x1024xf32, #tpu.memory_space<vmem_shared>> -> memref<512x1024xf32, #tpu.memory_space<vmem_shared>>
    %dma_start3A_92 = arith.constant 0 : i32
    %dma_start3A_93 = tpu.memref_slice %arg1[%add3A_83, %dma_start3A_92] : memref<8192x1024xf32, #tpu.memory_space<hbm>> -> memref<512x1024xf32, #tpu.memory_space<hbm>>
    tpu.enqueue_dma source(%dma_start3A_93 : memref<512x1024xf32, #tpu.memory_space<hbm>>) target(%dma_start3A_91 : memref<512x1024xf32, #tpu.memory_space<vmem_shared>>) target_semaphore(%dma_start3A_87 : memref<!tpu.dma_semaphore, #tpu.memory_space<semaphore_mem>>)
    %add3A_94 = arith.constant 1024 : i32
    %add3A_95 = arith.addi %mul3A_0, %add3A_94 : i32
    %dma_wait3A_96 = arith.constant 0 : i32
    %dma_wait3A_97 = arith.constant 0 : i32
    %dma_wait3A_98 = tpu.memref_slice %arg4[%dma_wait3A_97] : memref<2x!tpu.dma_semaphore, #tpu.memory_space<semaphore_mem>> -> memref<1x!tpu.dma_semaphore, #tpu.memory_space<semaphore_mem>>
    %dma_wait3A_99 = tpu.memref_squeeze %dma_wait3A_98 : memref<1x!tpu.dma_semaphore, #tpu.memory_space<semaphore_mem>> -> memref<!tpu.dma_semaphore, #tpu.memory_space<semaphore_mem>>
    %dma_wait3A_100 = arith.constant 0 : i32
    %dma_wait3A_101 = arith.constant 0 : i32
    %dma_wait3A_102 = tpu.memref_slice %arg3[%dma_wait3A_96, %dma_wait3A_100, %dma_wait3A_101] : memref<2x512x1024xf32, #tpu.memory_space<vmem_shared>> -> memref<1x512x1024xf32, #tpu.memory_space<vmem_shared>>
    %dma_wait3A_103 = tpu.memref_squeeze %dma_wait3A_102 : memref<1x512x1024xf32, #tpu.memory_space<vmem_shared>> -> memref<512x1024xf32, #tpu.memory_space<vmem_shared>>
    %dma_wait3A_104 = arith.constant 0 : i32
    %dma_wait3A_105 = tpu.memref_slice %arg1[%add3A_95, %dma_wait3A_104] : memref<8192x1024xf32, #tpu.memory_space<hbm>> -> memref<512x1024xf32, #tpu.memory_space<hbm>>
    tpu.wait_dma2 semaphore(%dma_wait3A_99 : memref<!tpu.dma_semaphore, #tpu.memory_space<semaphore_mem>>) src(%dma_wait3A_105 : memref<512x1024xf32, #tpu.memory_space<hbm>>) dst(%dma_wait3A_103 : memref<512x1024xf32, #tpu.memory_space<vmem_shared>>)
    %add3A_106 = arith.constant 1024 : i32
    %add3A_107 = arith.addi %mul3A_0, %add3A_106 : i32
    %dma_start3A_108 = arith.constant 0 : i32
    %dma_start3A_109 = arith.constant 0 : i32
    %dma_start3A_110 = tpu.memref_slice %arg5[%dma_start3A_109] : memref<2x!tpu.dma_semaphore, #tpu.memory_space<semaphore_mem>> -> memref<1x!tpu.dma_semaphore, #tpu.memory_space<semaphore_mem>>
    %dma_start3A_111 = tpu.memref_squeeze %dma_start3A_110 : memref<1x!tpu.dma_semaphore, #tpu.memory_space<semaphore_mem>> -> memref<!tpu.dma_semaphore, #tpu.memory_space<semaphore_mem>>
    %dma_start3A_112 = arith.constant 0 : i32
    %dma_start3A_113 = tpu.memref_slice %arg2[%add3A_107, %dma_start3A_112] : memref<4096x1024xf32, #tpu.memory_space<hbm>> -> memref<512x1024xf32, #tpu.memory_space<hbm>>
    %dma_start3A_114 = arith.constant 0 : i32
    %dma_start3A_115 = arith.constant 0 : i32
    %dma_start3A_116 = tpu.memref_slice %arg3[%dma_start3A_108, %dma_start3A_114, %dma_start3A_115] : memref<2x512x1024xf32, #tpu.memory_space<vmem_shared>> -> memref<1x512x1024xf32, #tpu.memory_space<vmem_shared>>
    %dma_start3A_117 = tpu.memref_squeeze %dma_start3A_116 : memref<1x512x1024xf32, #tpu.memory_space<vmem_shared>> -> memref<512x1024xf32, #tpu.memory_space<vmem_shared>>
    tpu.enqueue_dma source(%dma_start3A_117 : memref<512x1024xf32, #tpu.memory_space<vmem_shared>>) target(%dma_start3A_113 : memref<512x1024xf32, #tpu.memory_space<hbm>>) target_semaphore(%dma_start3A_111 : memref<!tpu.dma_semaphore, #tpu.memory_space<semaphore_mem>>)
    %add3A_118 = arith.constant 512 : i32
    %add3A_119 = arith.addi %mul3A_0, %add3A_118 : i32
    %dma_wait3A_120 = arith.constant 1 : i32
    %dma_wait3A_121 = arith.constant 1 : i32
    %dma_wait3A_122 = tpu.memref_slice %arg5[%dma_wait3A_121] : memref<2x!tpu.dma_semaphore, #tpu.memory_space<semaphore_mem>> -> memref<1x!tpu.dma_semaphore, #tpu.memory_space<semaphore_mem>>
    %dma_wait3A_123 = tpu.memref_squeeze %dma_wait3A_122 : memref<1x!tpu.dma_semaphore, #tpu.memory_space<semaphore_mem>> -> memref<!tpu.dma_semaphore, #tpu.memory_space<semaphore_mem>>
    %dma_wait3A_124 = arith.constant 0 : i32
    %dma_wait3A_125 = tpu.memref_slice %arg2[%add3A_119, %dma_wait3A_124] : memref<4096x1024xf32, #tpu.memory_space<hbm>> -> memref<512x1024xf32, #tpu.memory_space<hbm>>
    %dma_wait3A_126 = arith.constant 0 : i32
    %dma_wait3A_127 = arith.constant 0 : i32
    %dma_wait3A_128 = tpu.memref_slice %arg3[%dma_wait3A_120, %dma_wait3A_126, %dma_wait3A_127] : memref<2x512x1024xf32, #tpu.memory_space<vmem_shared>> -> memref<1x512x1024xf32, #tpu.memory_space<vmem_shared>>
    %dma_wait3A_129 = tpu.memref_squeeze %dma_wait3A_128 : memref<1x512x1024xf32, #tpu.memory_space<vmem_shared>> -> memref<512x1024xf32, #tpu.memory_space<vmem_shared>>
    tpu.wait_dma2 semaphore(%dma_wait3A_123 : memref<!tpu.dma_semaphore, #tpu.memory_space<semaphore_mem>>) src(%dma_wait3A_129 : memref<512x1024xf32, #tpu.memory_space<vmem_shared>>) dst(%dma_wait3A_125 : memref<512x1024xf32, #tpu.memory_space<hbm>>)
    %add3A_130 = arith.constant 1536 : i32
    %add3A_131 = arith.addi %mul3A_0, %add3A_130 : i32
    %dma_start3A_132 = arith.constant 1 : i32
    %dma_start3A_133 = arith.constant 1 : i32
    %dma_start3A_134 = tpu.memref_slice %arg4[%dma_start3A_133] : memref<2x!tpu.dma_semaphore, #tpu.memory_space<semaphore_mem>> -> memref<1x!tpu.dma_semaphore, #tpu.memory_space<semaphore_mem>>
    %dma_start3A_135 = tpu.memref_squeeze %dma_start3A_134 : memref<1x!tpu.dma_semaphore, #tpu.memory_space<semaphore_mem>> -> memref<!tpu.dma_semaphore, #tpu.memory_space<semaphore_mem>>
    %dma_start3A_136 = arith.constant 0 : i32
    %dma_start3A_137 = arith.constant 0 : i32
    %dma_start3A_138 = tpu.memref_slice %arg3[%dma_start3A_132, %dma_start3A_136, %dma_start3A_137] : memref<2x512x1024xf32, #tpu.memory_space<vmem_shared>> -> memref<1x512x1024xf32, #tpu.memory_space<vmem_shared>>
    %dma_start3A_139 = tpu.memref_squeeze %dma_start3A_138 : memref<1x512x1024xf32, #tpu.memory_space<vmem_shared>> -> memref<512x1024xf32, #tpu.memory_space<vmem_shared>>
    %dma_start3A_140 = arith.constant 0 : i32
    %dma_start3A_141 = tpu.memref_slice %arg1[%add3A_131, %dma_start3A_140] : memref<8192x1024xf32, #tpu.memory_space<hbm>> -> memref<512x1024xf32, #tpu.memory_space<hbm>>
    tpu.enqueue_dma source(%dma_start3A_141 : memref<512x1024xf32, #tpu.memory_space<hbm>>) target(%dma_start3A_139 : memref<512x1024xf32, #tpu.memory_space<vmem_shared>>) target_semaphore(%dma_start3A_135 : memref<!tpu.dma_semaphore, #tpu.memory_space<semaphore_mem>>)
    %add3A_142 = arith.constant 1536 : i32
    %add3A_143 = arith.addi %mul3A_0, %add3A_142 : i32
    %dma_wait3A_144 = arith.constant 1 : i32
    %dma_wait3A_145 = arith.constant 1 : i32
    %dma_wait3A_146 = tpu.memref_slice %arg4[%dma_wait3A_145] : memref<2x!tpu.dma_semaphore, #tpu.memory_space<semaphore_mem>> -> memref<1x!tpu.dma_semaphore, #tpu.memory_space<semaphore_mem>>
    %dma_wait3A_147 = tpu.memref_squeeze %dma_wait3A_146 : memref<1x!tpu.dma_semaphore, #tpu.memory_space<semaphore_mem>> -> memref<!tpu.dma_semaphore, #tpu.memory_space<semaphore_mem>>
    %dma_wait3A_148 = arith.constant 0 : i32
    %dma_wait3A_149 = arith.constant 0 : i32
    %dma_wait3A_150 = tpu.memref_slice %arg3[%dma_wait3A_144, %dma_wait3A_148, %dma_wait3A_149] : memref<2x512x1024xf32, #tpu.memory_space<vmem_shared>> -> memref<1x512x1024xf32, #tpu.memory_space<vmem_shared>>
    %dma_wait3A_151 = tpu.memref_squeeze %dma_wait3A_150 : memref<1x512x1024xf32, #tpu.memory_space<vmem_shared>> -> memref<512x1024xf32, #tpu.memory_space<vmem_shared>>
    %dma_wait3A_152 = arith.constant 0 : i32
    %dma_wait3A_153 = tpu.memref_slice %arg1[%add3A_143, %dma_wait3A_152] : memref<8192x1024xf32, #tpu.memory_space<hbm>> -> memref<512x1024xf32, #tpu.memory_space<hbm>>
    tpu.wait_dma2 semaphore(%dma_wait3A_147 : memref<!tpu.dma_semaphore, #tpu.memory_space<semaphore_mem>>) src(%dma_wait3A_153 : memref<512x1024xf32, #tpu.memory_space<hbm>>) dst(%dma_wait3A_151 : memref<512x1024xf32, #tpu.memory_space<vmem_shared>>)
    %add3A_154 = arith.constant 1536 : i32
    %add3A_155 = arith.addi %mul3A_0, %add3A_154 : i32
    %dma_start3A_156 = arith.constant 1 : i32
    %dma_start3A_157 = arith.constant 1 : i32
    %dma_start3A_158 = tpu.memref_slice %arg5[%dma_start3A_157] : memref<2x!tpu.dma_semaphore, #tpu.memory_space<semaphore_mem>> -> memref<1x!tpu.dma_semaphore, #tpu.memory_space<semaphore_mem>>
    %dma_start3A_159 = tpu.memref_squeeze %dma_start3A_158 : memref<1x!tpu.dma_semaphore, #tpu.memory_space<semaphore_mem>> -> memref<!tpu.dma_semaphore, #tpu.memory_space<semaphore_mem>>
    %dma_start3A_160 = arith.constant 0 : i32
    %dma_start3A_161 = tpu.memref_slice %arg2[%add3A_155, %dma_start3A_160] : memref<4096x1024xf32, #tpu.memory_space<hbm>> -> memref<512x1024xf32, #tpu.memory_space<hbm>>
    %dma_start3A_162 = arith.constant 0 : i32
    %dma_start3A_163 = arith.constant 0 : i32
    %dma_start3A_164 = tpu.memref_slice %arg3[%dma_start3A_156, %dma_start3A_162, %dma_start3A_163] : memref<2x512x1024xf32, #tpu.memory_space<vmem_shared>> -> memref<1x512x1024xf32, #tpu.memory_space<vmem_shared>>
    %dma_start3A_165 = tpu.memref_squeeze %dma_start3A_164 : memref<1x512x1024xf32, #tpu.memory_space<vmem_shared>> -> memref<512x1024xf32, #tpu.memory_space<vmem_shared>>
    tpu.enqueue_dma source(%dma_start3A_165 : memref<512x1024xf32, #tpu.memory_space<vmem_shared>>) target(%dma_start3A_161 : memref<512x1024xf32, #tpu.memory_space<hbm>>) target_semaphore(%dma_start3A_159 : memref<!tpu.dma_semaphore, #tpu.memory_space<semaphore_mem>>)
    %add3A_166 = arith.constant 1024 : i32
    %add3A_167 = arith.addi %mul3A_0, %add3A_166 : i32
    %dma_wait3A_168 = arith.constant 0 : i32
    %dma_wait3A_169 = arith.constant 0 : i32
    %dma_wait3A_170 = tpu.memref_slice %arg5[%dma_wait3A_169] : memref<2x!tpu.dma_semaphore, #tpu.memory_space<semaphore_mem>> -> memref<1x!tpu.dma_semaphore, #tpu.memory_space<semaphore_mem>>
    %dma_wait3A_171 = tpu.memref_squeeze %dma_wait3A_170 : memref<1x!tpu.dma_semaphore, #tpu.memory_space<semaphore_mem>> -> memref<!tpu.dma_semaphore, #tpu.memory_space<semaphore_mem>>
    %dma_wait3A_172 = arith.constant 0 : i32
    %dma_wait3A_173 = tpu.memref_slice %arg2[%add3A_167, %dma_wait3A_172] : memref<4096x1024xf32, #tpu.memory_space<hbm>> -> memref<512x1024xf32, #tpu.memory_space<hbm>>
    %dma_wait3A_174 = arith.constant 0 : i32
    %dma_wait3A_175 = arith.constant 0 : i32
    %dma_wait3A_176 = tpu.memref_slice %arg3[%dma_wait3A_168, %dma_wait3A_174, %dma_wait3A_175] : memref<2x512x1024xf32, #tpu.memory_space<vmem_shared>> -> memref<1x512x1024xf32, #tpu.memory_space<vmem_shared>>
    %dma_wait3A_177 = tpu.memref_squeeze %dma_wait3A_176 : memref<1x512x1024xf32, #tpu.memory_space<vmem_shared>> -> memref<512x1024xf32, #tpu.memory_space<vmem_shared>>
    tpu.wait_dma2 semaphore(%dma_wait3A_171 : memref<!tpu.dma_semaphore, #tpu.memory_space<semaphore_mem>>) src(%dma_wait3A_177 : memref<512x1024xf32, #tpu.memory_space<vmem_shared>>) dst(%dma_wait3A_173 : memref<512x1024xf32, #tpu.memory_space<hbm>>)
    %add3A_178 = arith.constant 1536 : i32
    %add3A_179 = arith.addi %mul3A_0, %add3A_178 : i32
    %dma_wait3A_180 = arith.constant 1 : i32
    %dma_wait3A_181 = arith.constant 1 : i32
    %dma_wait3A_182 = tpu.memref_slice %arg5[%dma_wait3A_181] : memref<2x!tpu.dma_semaphore, #tpu.memory_space<semaphore_mem>> -> memref<1x!tpu.dma_semaphore, #tpu.memory_space<semaphore_mem>>
    %dma_wait3A_183 = tpu.memref_squeeze %dma_wait3A_182 : memref<1x!tpu.dma_semaphore, #tpu.memory_space<semaphore_mem>> -> memref<!tpu.dma_semaphore, #tpu.memory_space<semaphore_mem>>
    %dma_wait3A_184 = arith.constant 0 : i32
    %dma_wait3A_185 = tpu.memref_slice %arg2[%add3A_179, %dma_wait3A_184] : memref<4096x1024xf32, #tpu.memory_space<hbm>> -> memref<512x1024xf32, #tpu.memory_space<hbm>>
    %dma_wait3A_186 = arith.constant 0 : i32
    %dma_wait3A_187 = arith.constant 0 : i32
    %dma_wait3A_188 = tpu.memref_slice %arg3[%dma_wait3A_180, %dma_wait3A_186, %dma_wait3A_187] : memref<2x512x1024xf32, #tpu.memory_space<vmem_shared>> -> memref<1x512x1024xf32, #tpu.memory_space<vmem_shared>>
    %dma_wait3A_189 = tpu.memref_squeeze %dma_wait3A_188 : memref<1x512x1024xf32, #tpu.memory_space<vmem_shared>> -> memref<512x1024xf32, #tpu.memory_space<vmem_shared>>
    tpu.wait_dma2 semaphore(%dma_wait3A_183 : memref<!tpu.dma_semaphore, #tpu.memory_space<semaphore_mem>>) src(%dma_wait3A_189 : memref<512x1024xf32, #tpu.memory_space<vmem_shared>>) dst(%dma_wait3A_185 : memref<512x1024xf32, #tpu.memory_space<hbm>>)
    return
  }
}

</mosaic_0001>

<sc_bundles>
// kernel: kernel.3.cloned.1.call-start
scs
__scs_entry_jumppad:
0x0: {  	(pc) =	sbr.rel $0x88, $3  }
0x1: {  	(tag) =	ssettag $0x0;
	lr =	simm.s32 $0x1  }
0x2: {  	[smem:$0x3FA0] =	sst lr;
	_ =	strace $0xD0000000  }
0x3: {  	_ = 	snop  }
0x4: {  	_ = 	snop  }
0x5: {  	_ = 	snop  }
0x6: {  	_ = 	snop  }
0x7: {  	_ = 	snop  }
__scs_overlays_trampoline_lowered:
0x8: {  	[smem:$0x3FAF] =	sst s0  }
0x9: {  	[smem:$0x3FB0] =	sst s1  }
0xa: {  	[smem:$0x3FB1] =	sst s2  }
0xb: {  	[smem:$0x3FB2] =	sst s3  }
0xc: {  	[smem:$0x3FB3] =	sst s4  }
0xd: {  	[smem:$0x3FB4] =	sst s5  }
0xe: {  	[smem:$0x3FB5] =	sst s6  }
0xf: {  	[smem:$0x3FB6] =	sst s7  }
0x10: {  	[smem:$0x3FB7] =	sst s8  }
0x11: {  	[smem:$0x3FB8] =	sst s9;
	s0 =	simm.s32 @!p0 $0x0  }
0x12: {  	s1 =	sld [smem:$0x3F9E];
	s0 =	simm.s32 @p0 $0x1  }
0x13: {  	[smem:$0x3FB9] =	sst s0;
	s0 =	simm.s32 @!p1 $0x0  }
0x14: {  	s2 =	sld [smem:$0x3F9D];
	s0 =	simm.s32 @p1 $0x1  }
0x15: {  	[smem:$0x3FBA] =	sst s0;
	s0 =	simm.s32 @!p2 $0x0  }
0x16: {  	s3 =	sld [smem:$0x3FDB];
	s0 =	simm.s32 @p2 $0x1  }
0x17: {  	s4 =	simm.s32 $0x1BF5;
	[smem:$0x3FBC] =	sst s0  }
0x18: {  	s0 =	sld [smem:$0x3F9F];
	_ =	swait.ge [sflag:s4], $0x0  }
0x19: {  	s7 =	sld [smem:$0x3FA0]  }
0x1a: {  	s8 =	sadd.s32 $0xFFFFE003, lr  }
0x1b: {  	s9 =	sadd.s32 $0xFFFFFEF7, lr;
	s5 =	simm.s32 $0xFFFFFFFF;
	p2 =	slt.u32 s8, $0xFFFFF086  }
0x1c: {  	p1 =	slt.u32 s9, $0xF7A;
	s5 =	simm.s32 @!p2 $0x0  }
0x1d: {  	s5 =	simm.s32 @p1 $0x1;
	p0 =	seq.s32 s7, s2  }
0x1e: {  	s7 =	smul.u32 @!p0 $0xF7A, s2;
	p2 =	seq.s32 @!p0 s5, $0x0  }
0x1f: {  	s9 =	smul.u32 $0xF7A, s1;
	s8 =	simm.s32 @!p0 $0x1BF5;
	p2 =	por !p2, p0  }
0x20: {  	[sflag:s8] =	ssyncset.s32 @!p0 $0xFFFFF086;
	s6 =	sadd.s32 @!p0 s3, s7;
	s7 =	simm.s32 @!p0 $0x108  }
0x21: {  	s3 =	sadd.s32 s3, s9;
	s6 =	sadd.s32 @!p0 $0x88, s6;
	s7 =	simm.s32 @p2 $0x1082  }
0x22: {  	[simem:s7], [sflag:s8] =	dma.local @!p0 [hbm:s6], $0xF7A  }
0x23: {  	s9 =	sor.u32 $0xD0000000, s2;
	s6 =	simm.s32 $0x108;
	_ =	swait.ge @!p0 [sflag:s8], $0x0  }
0x24: {  	s3 =	sadd.s32 $0x88, s3;
	s6 =	simm.s32 @!p1 $0x1082;
	[sflag:s4] =	ssyncset.s32 $0xFFFFF086  }
0x25: {  	[simem:s6], [sflag:s4] =	dma.local [hbm:s3], $0xF7A  }
0x26: {  	[smem:$0x3FA0] =	sst s1;
	(tag) =	ssettag s2;
	_ =	strace s9  }
0x27: {  	s1 =	sld [smem:$0x3FB0]  }
0x28: {  	s2 =	sld [smem:$0x3FB1]  }
0x29: {  	s4 =	sld [smem:$0x3FB3]  }
0x2a: {  	p0 =	seq.s32 s5, $0x0;
	s5 =	sld [smem:$0x3FB4]  }
0x2b: {  	s6 =	sld [smem:$0x3FB5]  }
0x2c: {  	s7 =	sld [smem:$0x3FB6]  }
0x2d: {  	s3 =	simm.s32 $0x108;
	s8 =	sld [smem:$0x3FB7]  }
0x2e: {  	s3 =	simm.s32 @!p0 $0x1082;
	s9 =	sld [smem:$0x3FB8]  }
0x2f: {  	lr =	sadd.s32 s0, s3;
	s0 =	sld [smem:$0x3FAF]  }
0x30: {  	s3 =	sld [smem:$0x3FB2]  }
0x31: {  	[smem:$0x3FBB] =	sst s10  }
0x32: {  	s10 =	sld [smem:$0x3FB9];
	_ =	sdelay $0x3  }
0x33: {  	p0 =	seq.s32 s10, $0x1;
	s10 =	sld [smem:$0x3FBB];
	_ =	sdelay $0x3  }
0x34: {  	[smem:$0x3FBB] =	sst s10  }
0x35: {  	s10 =	sld [smem:$0x3FBA];
	_ =	sdelay $0x3  }
0x36: {  	p1 =	seq.s32 s10, $0x1;
	s10 =	sld [smem:$0x3FBB];
	_ =	sdelay $0x3  }
0x37: {  	[smem:$0x3FBB] =	sst s10  }
0x38: {  	s10 =	sld [smem:$0x3FBC]  }
0x39: {  	_ = 	snop;
	(pc) =	sbr.ind lr, $3  }
0x3a: {  	_ = 	snop  }
0x3b: {  	_ = 	snop  }
0x3c: {  	p2 =	seq.s32 s10, $0x1;
	s10 =	sld [smem:$0x3FBB]  }
0x3d: {  	_ =	shalt  }
0x3e: {  	_ =	shalt  }
0x3f: {  	_ =	shalt  }
0x40: {  	_ =	shalt  }
0x41: {  	_ =	shalt  }
0x42: {  	_ =	shalt  }
0x43: {  	_ =	shalt  }
0x44: {  	_ =	shalt  }
0x45: {  	_ =	shalt  }
0x46: {  	_ =	shalt  }
0x47: {  	_ =	shalt  }
0x48: {  	_ =	shalt  }
0x49: {  	_ =	shalt  }
0x4a: {  	_ =	shalt  }
0x4b: {  	_ =	shalt  }
0x4c: {  	_ =	shalt  }
0x4d: {  	_ =	shalt  }
0x4e: {  	_ =	shalt  }
0x4f: {  	_ =	shalt  }
0x50: {  	_ =	shalt  }
0x51: {  	_ =	shalt  }
0x52: {  	_ =	shalt  }
0x53: {  	_ =	shalt  }
0x54: {  	_ =	shalt  }
0x55: {  	_ =	shalt  }
0x56: {  	_ =	shalt  }
0x57: {  	_ =	shalt  }
0x58: {  	_ =	shalt  }
0x59: {  	_ =	shalt  }
0x5a: {  	_ =	shalt  }
0x5b: {  	_ =	shalt  }
0x5c: {  	_ =	shalt  }
0x5d: {  	_ =	shalt  }
0x5e: {  	_ =	shalt  }
0x5f: {  	_ =	shalt  }
0x60: {  	_ =	shalt  }
0x61: {  	_ =	shalt  }
0x62: {  	_ =	shalt  }
0x63: {  	_ =	shalt  }
0x64: {  	_ =	shalt  }
0x65: {  	_ =	shalt  }
0x66: {  	_ =	shalt  }
0x67: {  	_ =	shalt  }
0x68: {  	_ =	shalt  }
0x69: {  	_ =	shalt  }
0x6a: {  	_ =	shalt  }
0x6b: {  	_ =	shalt  }
0x6c: {  	_ =	shalt  }
0x6d: {  	_ =	shalt  }
0x6e: {  	_ =	shalt  }
0x6f: {  	_ =	shalt  }
0x70: {  	_ =	shalt  }
0x71: {  	_ =	shalt  }
0x72: {  	_ =	shalt  }
0x73: {  	_ =	shalt  }
0x74: {  	_ =	shalt  }
0x75: {  	_ =	shalt  }
0x76: {  	_ =	shalt  }
0x77: {  	_ =	shalt  }
0x78: {  	_ =	shalt  }
0x79: {  	_ =	shalt  }
0x7a: {  	_ =	shalt  }
0x7b: {  	_ =	shalt  }
0x7c: {  	_ =	shalt  }
0x7d: {  	_ =	shalt  }
0x7e: {  	_ =	shalt  }
0x7f: {  	_ =	shalt  }
0x80: {  	_ =	shalt  }
0x81: {  	_ =	shalt  }
0x82: {  	_ =	shalt  }
0x83: {  	_ =	shalt  }
0x84: {  	_ =	shalt  }
0x85: {  	_ =	shalt  }
0x86: {  	_ =	shalt  }
0x87: {  	_ =	shalt  }
.Lfunc_end0:
.L_simem_size_0:
called_computation_lowered:
.L_overlay_start_0:
0x88: {  	s2 =	sld [smem:$0x3FD9]  }
0x89: {  	s3 =	sld [smem:$0x3FFE];
	_ =	sdelay $0x1  }
0x8a: {  	s1 =	srdreg.scid  }
0x8b: {  	s0 =	sand.u32 $0x1, s1  }
0x8c: {  	s18 =	sshll.u32 s0, $0xA;
	s2 =	sadd.s32 s3, s2  }
0x8d: {  	s2 =	sadd.s32 s2, s18  }
0x8e: {  	s4 =	simm.s32 $0x0;
	[smem:$0x3FC7] =	sst s2  }
0x8f: {  	[smem:$0xF] =	sst s4  }
0x90: {  	s2 =	sld [smem:$0x3FC9]  }
0x91: {  	s19 =	sld [smem:$0x3FD0];
	(tm) =	ssettm $0x1  }
0x92: {  	s5 =	sld [smem:$0x3FFB];
	_ =	sdelay $0x3  }
0x93: {  	_ =	strace s5  }
0x94: {  	s5 =	sld [smem:$0x3FFC];
	_ =	sdelay $0x3  }
0x95: {  	_ =	strace s5  }
0x96: {  	s5 =	sld [smem:$0x3FFD];
	_ =	sdelay $0x3  }
0x97: {  	_ =	strace s5  }
0x98: {  	s20 =	simm.s32 $0x1B8B;
	_ =	strace $0x8FFFFFFF  }
0x99: {  	_ =	swait.ge [sflag:s20], $0x1  }
0x9a: {  	[sflag:s20] =	ssyncset.done $0x0  }
0x9b: {  	s21 =	simm.s32 $0x1B8E;
	[sflag:s20] =	ssyncadd.s32 $0xFFFFFFFF  }
0x9c: {  	s22 =	sshll.u32 s0, $0x12;
	[smem:$0x3FD2] =	sst s21  }
0x9d: {  	s7 =	simm.s32 $0x9;
	s6 =	sadd.s32 s22, s2;
	_ =	strace $0x80000046  }
0x9e: {  	[spmem:s4], [sflag:s7] =	dma.local [hbm:s6], $0x10000  }
0x9f: {  	s8 =	simm.s32 $0xB;
	s10 =	simm.s32 $0xA;
	_ =	swait.ge [sflag:s7], $0x10000  }
0xa0: {  	s11 =	simm.s32 $0x10000;
	s24 =	sor.u32 $0x10000, s22;
	[sflag:s7] =	ssyncset.done $0x0  }
0xa1: {  	s23 =	sadd.s32 s22, s19;
	s9 =	sadd.s32 s24, s2;
	[sflag:s7] =	ssyncadd.s32 $0xFFFF0000  }
0xa2: {  	[hbm:s23], [sflag:s8] =	dma.local [spmem:s4], $0x10000  }
0xa3: {  	[spmem:s11], [sflag:s10] =	dma.local [hbm:s9], $0x10000  }
0xa4: {  	_ =	swait.ge [sflag:s10], $0x10000  }
0xa5: {  	[sflag:s10] =	ssyncset.done $0x0  }
0xa6: {  	[sflag:s10] =	ssyncadd.s32 $0xFFFF0000  }
0xa7: {  	s25 =	simm.s32 $0xC;
	s6 =	sadd.s32 s24, s19  }
0xa8: {  	[hbm:s6], [sflag:s25] =	dma.local [spmem:s11], $0x10000  }
0xa9: {  	_ =	swait.ge [sflag:s8], $0x10000  }
0xaa: {  	[sflag:s8] =	ssyncset.done $0x0  }
0xab: {  	s26 =	sor.u32 $0x20000, s22;
	[sflag:s8] =	ssyncadd.s32 $0xFFFF0000  }
0xac: {  	s12 =	sadd.s32 s26, s2  }
0xad: {  	[spmem:s4], [sflag:s7] =	dma.local [hbm:s12], $0x10000  }
0xae: {  	_ =	swait.ge [sflag:s7], $0x10000  }
0xaf: {  	[sflag:s7] =	ssyncset.done $0x0  }
0xb0: {  	[sflag:s7] =	ssyncadd.s32 $0xFFFF0000  }
0xb1: {  	s6 =	sadd.s32 s26, s19  }
0xb2: {  	[hbm:s6], [sflag:s8] =	dma.local [spmem:s4], $0x10000  }
0xb3: {  	_ =	swait.ge [sflag:s25], $0x10000  }
0xb4: {  	[sflag:s25] =	ssyncset.done $0x0  }
0xb5: {  	s28 =	sor.u32 $0x30000, s22;
	[sflag:s25] =	ssyncadd.s32 $0xFFFF0000  }
0xb6: {  	s2 =	sadd.s32 s28, s2  }
0xb7: {  	[spmem:s11], [sflag:s10] =	dma.local [hbm:s2], $0x10000  }
0xb8: {  	_ =	swait.ge [sflag:s10], $0x10000  }
0xb9: {  	[sflag:s10] =	ssyncset.done $0x0  }
0xba: {  	[sflag:s10] =	ssyncadd.s32 $0xFFFF0000  }
0xbb: {  	s29 =	sadd.s32 s28, s19  }
0xbc: {  	[hbm:s29], [sflag:s25] =	dma.local [spmem:s11], $0x10000  }
0xbd: {  	_ =	swait.ge [sflag:s8], $0x10000  }
0xbe: {  	[sflag:s8] =	ssyncset.done $0x0  }
0xbf: {  	[sflag:s8] =	ssyncadd.s32 $0xFFFF0000;
	_ =	sdelay $0x2  }
0xc0: {  	_ =	swait.ge [sflag:s25], $0x10000  }
0xc1: {  	[sflag:s25] =	ssyncset.done $0x0  }
0xc2: {  	[sflag:s25] =	ssyncadd.s32 $0xFFFF0000  }
0xc3: {  	_ =	strace $0x90000046  }
0xc4: {  	_ =	sfence  }
0xc5: {  	s30 =	sld [smem:$0x0];
	_ =	sdelay $0x2  }
0xc6: {  	s31 =	sshll.u32 s1, $0xD;
	s1 =	sshrl.u32 s1, $0x2  }
0xc7: {  	s3 =	sand.u32 $0x4000, s31;
	s1 =	sadd.s32 s1, s30  }
0xc8: {  	s0 =	sor.u32 s3, s0;
	s1 =	sshll.u32 s1, $0x11  }
0xc9: {  	s0 =	sor.u32 s1, s0  }
0xca: {  	s0 =	sadd.s32 $0x8F2B, s0;
	(pc) =	sbr.abs _section_cstart, $3  }
0xcb: {  	[sflag:s0] =	ssyncadd.remote.s32 $0x1  }
0xcc: {  	_ =	strace $0x9FFFFFFF  }
0xcd: {  	(tm) =	ssettm $0x7FFFFFFF  }

</sc_bundles>
